<compile_context>
chip_gen: v7x
topology: tpu7x:2x2x1
jax: 0.10.2.dev20260603
libtpu: 0.0.44.dev20260713+nightly
codegen_flags: <defaults>
</compile_context>

<pallas_src>
import functools

import jax
import jax.numpy as jnp
from jax import lax
from jax.experimental import pallas as pl
from jax.experimental.pallas import tpu as pltpu
from jax.experimental.pallas import tpu_sc as plsc

_L = 16
_U = 4


def _body(x_hbm, fc_hbm, na_hbm, nr_hbm, out_hbm,
          x_v, f_v, o_v, s0, s1, *, B, R, A):
    del na_hbm, nr_hbm
    wid = lax.axis_index("s")

    @pl.when(wid < B)
    def _():
        m = wid
        seg = R * A
        cps = (
            pltpu.make_async_copy(x_hbm.at[pl.ds(m * seg, seg)], x_v, s0),
            pltpu.make_async_copy(fc_hbm.at[pl.ds(m * seg, seg)], f_v, s1),
        )
        for cp in cps:
            cp.start()
        for cp in cps:
            cp.wait()

        def dbody(j, acc):
            d0, d1 = acc
            base = j * (_U * _L)
            for u in range(_U):
                sl = pl.ds(base + u * _L, _L)
                if u % 2 == 0:
                    d0 = d0 + (f_v[sl] - x_v[sl])
                else:
                    d1 = d1 + (f_v[sl] - x_v[sl])
            return (d0, d1)

        z = jnp.zeros((_L,), jnp.float32)
        d0, d1 = lax.fori_loop(0, seg // (_U * _L), dbody, (z, z))
        diff = d0 + d1
        d = diff[0]
        for i in range(1, _L):
            d = d + diff[i]

        dna = jnp.full((_L,), d, jnp.float32) * (1.0 / A)
        rnr = jnp.float32(1.0 / R)

        def obody(j, carry):
            base = j * (_U * _L)
            for u in range(_U):
                off = base + u * _L
                acc = dna
                for r in range(R):
                    acc = acc + x_v[pl.ds(r * A + off, _L)]
                o_v[pl.ds(off, _L)] = acc * rnr
            return carry
        lax.fori_loop(0, A // (_U * _L), obody, 0)
        pltpu.sync_copy(o_v, out_hbm.at[pl.ds(m * A, A)])


def kernel(inputs, formal_charge, n_atoms_per_molecule, n_representations_per_molecule):
    B = n_atoms_per_molecule.shape[0]
    total = formal_charge.shape[0]
    R = 2
    A = total // (B * R)

    x = inputs.reshape(total)

    mesh = plsc.VectorSubcoreMesh(core_axis_name="c", subcore_axis_name="s",
                                  num_cores=1)
    run = pl.kernel(
        functools.partial(_body, B=B, R=R, A=A),
        mesh=mesh,
        out_type=jax.ShapeDtypeStruct((B * A,), jnp.float32),
        scratch_types=[
            pltpu.VMEM((R * A,), jnp.float32),
            pltpu.VMEM((R * A,), jnp.float32),
            pltpu.VMEM((A,), jnp.float32),
            pltpu.SemaphoreType.DMA,
            pltpu.SemaphoreType.DMA,
        ],
    )
    out = run(x, formal_charge,
              n_atoms_per_molecule, n_representations_per_molecule)
    return out.reshape(B * A, 1)

# --- scband reference (transcript-rebuilt; emitter-appended) ---
"""Pipeline reference for scband-normalize-partial-charges-23450521436430 (READ-ONLY COPY).

The authoritative reference and input builder live on the scoring server;
editing this copy changes nothing except your own understanding.
"""

import jax, jax.numpy as jnp
import numpy as np

B = 16          # molecules in the batch
N_ATOMS = 512   # atoms per molecule (fixed here for consistency)
N_REPS = 2      # resonance representations per molecule
TOTAL = B * N_ATOMS * N_REPS  # 16384 rows of readout


def setup_inputs(seed: int = 0) -> dict:
    key = jax.random.key(seed)
    k1, k2 = jax.random.split(key)
    inputs = jax.random.normal(k1, (TOTAL, 1), dtype=jnp.float32)
    # formal charges are small integers (-1, 0, +1) stored as floats
    formal_charge = jax.random.randint(k2, (TOTAL,), -1, 2).astype(jnp.float32)
    n_atoms_per_molecule = jnp.full((B,), N_ATOMS, dtype=jnp.int32)
    n_representations_per_molecule = jnp.full((B,), N_REPS, dtype=jnp.int32)
    return {
        "inputs": inputs,
        "formal_charge": formal_charge,
        "n_atoms_per_molecule": n_atoms_per_molecule,
        "n_representations_per_molecule": n_representations_per_molecule,
    }


def reference(inputs, formal_charge, n_atoms_per_molecule, n_representations_per_molecule):
    # Faithful translation of NormalizePartialCharges.forward
    raw_charges = inputs[:, 0]
    n_mols = n_atoms_per_molecule.shape[0]
    charges = raw_charges.reshape(n_mols, N_REPS, N_ATOMS)
    fc = formal_charge.reshape(n_mols, N_REPS, N_ATOMS)
    total_charge = fc.sum(axis=2)
    difference = total_charge - charges.sum(axis=2)
    na_f = n_atoms_per_molecule.astype(jnp.float32)
    normalized = charges + (difference / na_f[:, None])[:, :, None]
    nr_f = n_representations_per_molecule.astype(jnp.float32)
    mean_charges = normalized.sum(axis=1) / nr_f[:, None]
    return mean_charges.reshape(n_mols * N_ATOMS, 1)

if __name__ == "__main__":
    import jax
    _d = setup_inputs()
    print(jax.jit(kernel)(*tuple(_d.values())))

</pallas_src>

<mosaic_0001>
#map = affine_map<(d0, d1) -> (0)>
module attributes {stable_mosaic.version = 14 : i64} {
  func.func @_body(%arg0: i32, %arg1: i32, %arg2: memref<16384xf32, #tpu.memory_space<hbm>>, %arg3: memref<16384xf32, #tpu.memory_space<hbm>>, %arg4: memref<16xi32, #tpu.memory_space<hbm>>, %arg5: memref<16xi32, #tpu.memory_space<hbm>>, %arg6: memref<8192xf32, #tpu.memory_space<hbm>>, %arg7: memref<1024xf32, #tpu.memory_space<vmem>>, %arg8: memref<1024xf32, #tpu.memory_space<vmem>>, %arg9: memref<512xf32, #tpu.memory_space<vmem>>, %arg10: memref<!tpu.dma_semaphore, #tpu.memory_space<semaphore_mem>>, %arg11: memref<!tpu.dma_semaphore, #tpu.memory_space<semaphore_mem>>) attributes {dimension_semantics = [#tpu.dimension_semantics<core_parallel>, #tpu.dimension_semantics<subcore_parallel>], iteration_bounds = array<i64: 1, 16>, scalar_prefetch = 0 : i64, scratch_operands = 5 : i64, tpu.core_type = #tpu.core_type<sc_vector_subcore>, window_params = [{transform_indices = #map}, {transform_indices = #map}, {transform_indices = #map}, {transform_indices = #map}, {transform_indices = #map}]} {
    %lt3A = arith.constant 16 : i32
    %lt3A_0 = arith.cmpi slt, %arg1, %lt3A : i32
    %convert_element_type3A = arith.extui %lt3A_0 : i1 to i32
    %cond3A = arith.constant 0 : i32
    %cond3A_1 = arith.cmpi ne, %convert_element_type3A, %cond3A : i32
    scf.if %cond3A_1 {
      %mul3A = arith.constant 1024 : i32
      %mul3A_2 = arith.muli %arg1, %mul3A : i32
      %mul3A_3 = arith.constant 1024 : i32
      %mul3A_4 = arith.muli %arg1, %mul3A_3 : i32
      %dma_start3A = tpu.memref_slice %arg2[%mul3A_2] : memref<16384xf32, #tpu.memory_space<hbm>> -> memref<1024xf32, #tpu.memory_space<hbm>>
      %dma_start3A_5 = tpu.memref_slice %arg2[%mul3A_2] : memref<16384xf32, #tpu.memory_space<hbm>> -> memref<1024xf32, #tpu.memory_space<hbm>>
      tpu.enqueue_dma source(%dma_start3A_5 : memref<1024xf32, #tpu.memory_space<hbm>>) target(%arg7 : memref<1024xf32, #tpu.memory_space<vmem>>) target_semaphore(%arg10 : memref<!tpu.dma_semaphore, #tpu.memory_space<semaphore_mem>>)
      %dma_start3A_6 = tpu.memref_slice %arg3[%mul3A_4] : memref<16384xf32, #tpu.memory_space<hbm>> -> memref<1024xf32, #tpu.memory_space<hbm>>
      %dma_start3A_7 = tpu.memref_slice %arg3[%mul3A_4] : memref<16384xf32, #tpu.memory_space<hbm>> -> memref<1024xf32, #tpu.memory_space<hbm>>
      tpu.enqueue_dma source(%dma_start3A_7 : memref<1024xf32, #tpu.memory_space<hbm>>) target(%arg8 : memref<1024xf32, #tpu.memory_space<vmem>>) target_semaphore(%arg11 : memref<!tpu.dma_semaphore, #tpu.memory_space<semaphore_mem>>)
      %dma_wait3A = tpu.memref_slice %arg2[%mul3A_2] : memref<16384xf32, #tpu.memory_space<hbm>> -> memref<1024xf32, #tpu.memory_space<hbm>>
      %dma_wait3A_8 = tpu.memref_slice %arg2[%mul3A_2] : memref<16384xf32, #tpu.memory_space<hbm>> -> memref<1024xf32, #tpu.memory_space<hbm>>
      tpu.wait_dma2 semaphore(%arg10 : memref<!tpu.dma_semaphore, #tpu.memory_space<semaphore_mem>>) src(%dma_wait3A_8 : memref<1024xf32, #tpu.memory_space<hbm>>) dst(%arg7 : memref<1024xf32, #tpu.memory_space<vmem>>)
      %dma_wait3A_9 = tpu.memref_slice %arg3[%mul3A_4] : memref<16384xf32, #tpu.memory_space<hbm>> -> memref<1024xf32, #tpu.memory_space<hbm>>
      %dma_wait3A_10 = tpu.memref_slice %arg3[%mul3A_4] : memref<16384xf32, #tpu.memory_space<hbm>> -> memref<1024xf32, #tpu.memory_space<hbm>>
      tpu.wait_dma2 semaphore(%arg11 : memref<!tpu.dma_semaphore, #tpu.memory_space<semaphore_mem>>) src(%dma_wait3A_10 : memref<1024xf32, #tpu.memory_space<hbm>>) dst(%arg8 : memref<1024xf32, #tpu.memory_space<vmem>>)
      %broadcast_in_dim3A = arith.constant 0.000000e+00 : f32
      %broadcast_in_dim3A_11 = vector.broadcast %broadcast_in_dim3A : f32 to vector<16xf32>
      %scan3A = arith.constant 0 : i32
      %scan3A_12 = arith.constant 16 : i32
      %scan3A_13 = arith.addi %scan3A, %scan3A_12 : i32
      %scan3A_14 = arith.constant 1 : i32
      %scan3A_15:2 = scf.for %scan3A_75 = %scan3A to %scan3A_13 step %scan3A_14 iter_args(%scan3A_76 = %broadcast_in_dim3A_11, %scan3A_77 = %broadcast_in_dim3A_11) -> (vector<16xf32>, vector<16xf32>)  : i32 {
        %mul3A_78 = arith.constant 64 : i32
        %mul3A_79 = arith.muli %scan3A_75, %mul3A_78 : i32
        %add3A_80 = arith.constant 0 : i32
        %add3A_81 = arith.addi %mul3A_79, %add3A_80 : i32
        %get3A = arith.index_cast %add3A_81 : i32 to index
        %get3A_82 = tpu.vector_load %arg8[%get3A] {strides = array<i32>} : memref<1024xf32, #tpu.memory_space<vmem>>, vector<16xf32>,
        %get3A_83 = vector.shape_cast %get3A_82 : vector<16xf32> to vector<16xf32>
        %get3A_84 = arith.index_cast %add3A_81 : i32 to index
        %get3A_85 = tpu.vector_load %arg7[%get3A_84] {strides = array<i32>} : memref<1024xf32, #tpu.memory_space<vmem>>, vector<16xf32>,
        %get3A_86 = vector.shape_cast %get3A_85 : vector<16xf32> to vector<16xf32>
        %sub3A = arith.subf %get3A_83, %get3A_86 : vector<16xf32>
        %add3A_87 = arith.addf %scan3A_76, %sub3A : vector<16xf32>
        %add3A_88 = arith.constant 16 : i32
        %add3A_89 = arith.addi %mul3A_79, %add3A_88 : i32
        %get3A_90 = arith.index_cast %add3A_89 : i32 to index
        %get3A_91 = tpu.vector_load %arg8[%get3A_90] {strides = array<i32>} : memref<1024xf32, #tpu.memory_space<vmem>>, vector<16xf32>,
        %get3A_92 = vector.shape_cast %get3A_91 : vector<16xf32> to vector<16xf32>
        %get3A_93 = arith.index_cast %add3A_89 : i32 to index
        %get3A_94 = tpu.vector_load %arg7[%get3A_93] {strides = array<i32>} : memref<1024xf32, #tpu.memory_space<vmem>>, vector<16xf32>,
        %get3A_95 = vector.shape_cast %get3A_94 : vector<16xf32> to vector<16xf32>
        %sub3A_96 = arith.subf %get3A_92, %get3A_95 : vector<16xf32>
        %add3A_97 = arith.addf %scan3A_77, %sub3A_96 : vector<16xf32>
        %add3A_98 = arith.constant 32 : i32
        %add3A_99 = arith.addi %mul3A_79, %add3A_98 : i32
        %get3A_100 = arith.index_cast %add3A_99 : i32 to index
        %get3A_101 = tpu.vector_load %arg8[%get3A_100] {strides = array<i32>} : memref<1024xf32, #tpu.memory_space<vmem>>, vector<16xf32>,
        %get3A_102 = vector.shape_cast %get3A_101 : vector<16xf32> to vector<16xf32>
        %get3A_103 = arith.index_cast %add3A_99 : i32 to index
        %get3A_104 = tpu.vector_load %arg7[%get3A_103] {strides = array<i32>} : memref<1024xf32, #tpu.memory_space<vmem>>, vector<16xf32>,
        %get3A_105 = vector.shape_cast %get3A_104 : vector<16xf32> to vector<16xf32>
        %sub3A_106 = arith.subf %get3A_102, %get3A_105 : vector<16xf32>
        %add3A_107 = arith.addf %add3A_87, %sub3A_106 : vector<16xf32>
        %add3A_108 = arith.constant 48 : i32
        %add3A_109 = arith.addi %mul3A_79, %add3A_108 : i32
        %get3A_110 = arith.index_cast %add3A_109 : i32 to index
        %get3A_111 = tpu.vector_load %arg8[%get3A_110] {strides = array<i32>} : memref<1024xf32, #tpu.memory_space<vmem>>, vector<16xf32>,
        %get3A_112 = vector.shape_cast %get3A_111 : vector<16xf32> to vector<16xf32>
        %get3A_113 = arith.index_cast %add3A_109 : i32 to index
        %get3A_114 = tpu.vector_load %arg7[%get3A_113] {strides = array<i32>} : memref<1024xf32, #tpu.memory_space<vmem>>, vector<16xf32>,
        %get3A_115 = vector.shape_cast %get3A_114 : vector<16xf32> to vector<16xf32>
        %sub3A_116 = arith.subf %get3A_112, %get3A_115 : vector<16xf32>
        %add3A_117 = arith.addf %add3A_97, %sub3A_116 : vector<16xf32>
        scf.yield %add3A_107, %add3A_117 : vector<16xf32>, vector<16xf32>
      }
      %scan3A_16 = arith.constant 16 : i32
      %add3A = arith.addf %scan3A_15#0, %scan3A_15#1 : vector<16xf32>
      %slice3A = vector.extract_strided_slice %add3A {offsets = [0], sizes = [1], strides = [1]} : vector<16xf32> to vector<1xf32>
      %squeeze3A = vector.extract %slice3A[0] : f32 from vector<1xf32>
      %slice3A_17 = vector.extract_strided_slice %add3A {offsets = [1], sizes = [1], strides = [1]} : vector<16xf32> to vector<1xf32>
      %squeeze3A_18 = vector.extract %slice3A_17[0] : f32 from vector<1xf32>
      %add3A_19 = arith.addf %squeeze3A, %squeeze3A_18 : f32
      %slice3A_20 = vector.extract_strided_slice %add3A {offsets = [2], sizes = [1], strides = [1]} : vector<16xf32> to vector<1xf32>
      %squeeze3A_21 = vector.extract %slice3A_20[0] : f32 from vector<1xf32>
      %add3A_22 = arith.addf %add3A_19, %squeeze3A_21 : f32
      %slice3A_23 = vector.extract_strided_slice %add3A {offsets = [3], sizes = [1], strides = [1]} : vector<16xf32> to vector<1xf32>
      %squeeze3A_24 = vector.extract %slice3A_23[0] : f32 from vector<1xf32>
      %add3A_25 = arith.addf %add3A_22, %squeeze3A_24 : f32
      %slice3A_26 = vector.extract_strided_slice %add3A {offsets = [4], sizes = [1], strides = [1]} : vector<16xf32> to vector<1xf32>
      %squeeze3A_27 = vector.extract %slice3A_26[0] : f32 from vector<1xf32>
      %add3A_28 = arith.addf %add3A_25, %squeeze3A_27 : f32
      %slice3A_29 = vector.extract_strided_slice %add3A {offsets = [5], sizes = [1], strides = [1]} : vector<16xf32> to vector<1xf32>
      %squeeze3A_30 = vector.extract %slice3A_29[0] : f32 from vector<1xf32>
      %add3A_31 = arith.addf %add3A_28, %squeeze3A_30 : f32
      %slice3A_32 = vector.extract_strided_slice %add3A {offsets = [6], sizes = [1], strides = [1]} : vector<16xf32> to vector<1xf32>
      %squeeze3A_33 = vector.extract %slice3A_32[0] : f32 from vector<1xf32>
      %add3A_34 = arith.addf %add3A_31, %squeeze3A_33 : f32
      %slice3A_35 = vector.extract_strided_slice %add3A {offsets = [7], sizes = [1], strides = [1]} : vector<16xf32> to vector<1xf32>
      %squeeze3A_36 = vector.extract %slice3A_35[0] : f32 from vector<1xf32>
      %add3A_37 = arith.addf %add3A_34, %squeeze3A_36 : f32
      %slice3A_38 = vector.extract_strided_slice %add3A {offsets = [8], sizes = [1], strides = [1]} : vector<16xf32> to vector<1xf32>
      %squeeze3A_39 = vector.extract %slice3A_38[0] : f32 from vector<1xf32>
      %add3A_40 = arith.addf %add3A_37, %squeeze3A_39 : f32
      %slice3A_41 = vector.extract_strided_slice %add3A {offsets = [9], sizes = [1], strides = [1]} : vector<16xf32> to vector<1xf32>
      %squeeze3A_42 = vector.extract %slice3A_41[0] : f32 from vector<1xf32>
      %add3A_43 = arith.addf %add3A_40, %squeeze3A_42 : f32
      %slice3A_44 = vector.extract_strided_slice %add3A {offsets = [10], sizes = [1], strides = [1]} : vector<16xf32> to vector<1xf32>
      %squeeze3A_45 = vector.extract %slice3A_44[0] : f32 from vector<1xf32>
      %add3A_46 = arith.addf %add3A_43, %squeeze3A_45 : f32
      %slice3A_47 = vector.extract_strided_slice %add3A {offsets = [11], sizes = [1], strides = [1]} : vector<16xf32> to vector<1xf32>
      %squeeze3A_48 = vector.extract %slice3A_47[0] : f32 from vector<1xf32>
      %add3A_49 = arith.addf %add3A_46, %squeeze3A_48 : f32
      %slice3A_50 = vector.extract_strided_slice %add3A {offsets = [12], sizes = [1], strides = [1]} : vector<16xf32> to vector<1xf32>
      %squeeze3A_51 = vector.extract %slice3A_50[0] : f32 from vector<1xf32>
      %add3A_52 = arith.addf %add3A_49, %squeeze3A_51 : f32
      %slice3A_53 = vector.extract_strided_slice %add3A {offsets = [13], sizes = [1], strides = [1]} : vector<16xf32> to vector<1xf32>
      %squeeze3A_54 = vector.extract %slice3A_53[0] : f32 from vector<1xf32>
      %add3A_55 = arith.addf %add3A_52, %squeeze3A_54 : f32
      %slice3A_56 = vector.extract_strided_slice %add3A {offsets = [14], sizes = [1], strides = [1]} : vector<16xf32> to vector<1xf32>
      %squeeze3A_57 = vector.extract %slice3A_56[0] : f32 from vector<1xf32>
      %add3A_58 = arith.addf %add3A_55, %squeeze3A_57 : f32
      %slice3A_59 = vector.extract_strided_slice %add3A {offsets = [15], sizes = [1], strides = [1]} : vector<16xf32> to vector<1xf32>
      %squeeze3A_60 = vector.extract %slice3A_59[0] : f32 from vector<1xf32>
      %add3A_61 = arith.addf %add3A_58, %squeeze3A_60 : f32
      %broadcast_in_dim3A_62 = vector.broadcast %add3A_61 : f32 to vector<16xf32>
      %mul3A_63 = arith.constant 0.001953125 : f32
      %mul3A_64 = vector.broadcast %mul3A_63 : f32 to vector<16xf32>
      %mul3A_65 = arith.mulf %broadcast_in_dim3A_62, %mul3A_64 : vector<16xf32>
      %scan3A_66 = arith.constant 0 : i32
      %scan3A_67 = arith.constant 5.000000e-01 : f32
      %scan3A_68 = arith.constant 0 : i32
      %scan3A_69 = arith.constant 8 : i32
      %scan3A_70 = arith.addi %scan3A_68, %scan3A_69 : i32
      %scan3A_71 = arith.constant 1 : i32
      scf.for %scan3A_75 = %scan3A_68 to %scan3A_70 step %scan3A_71  : i32 {
        %mul3A_76 = arith.constant 64 : i32
        %mul3A_77 = arith.muli %scan3A_75, %mul3A_76 : i32
        %add3A_78 = arith.constant 0 : i32
        %add3A_79 = arith.addi %mul3A_77, %add3A_78 : i32
        %add3A_80 = arith.constant 0 : i32
        %add3A_81 = arith.addi %add3A_80, %add3A_79 : i32
        %get3A = arith.index_cast %add3A_81 : i32 to index
        %get3A_82 = tpu.vector_load %arg7[%get3A] {strides = array<i32>} : memref<1024xf32, #tpu.memory_space<vmem>>, vector<16xf32>,
        %get3A_83 = vector.shape_cast %get3A_82 : vector<16xf32> to vector<16xf32>
        %add3A_84 = arith.addf %mul3A_65, %get3A_83 : vector<16xf32>
        %add3A_85 = arith.constant 512 : i32
        %add3A_86 = arith.addi %add3A_85, %add3A_79 : i32
        %get3A_87 = arith.index_cast %add3A_86 : i32 to index
        %get3A_88 = tpu.vector_load %arg7[%get3A_87] {strides = array<i32>} : memref<1024xf32, #tpu.memory_space<vmem>>, vector<16xf32>,
        %get3A_89 = vector.shape_cast %get3A_88 : vector<16xf32> to vector<16xf32>
        %add3A_90 = arith.addf %add3A_84, %get3A_89 : vector<16xf32>
        %mul3A_91 = vector.broadcast %scan3A_67 : f32 to vector<16xf32>
        %mul3A_92 = arith.mulf %add3A_90, %mul3A_91 : vector<16xf32>
        %swap3A = arith.index_cast %add3A_79 : i32 to index
        %swap3A_93 = tpu.vector_load %arg9[%swap3A] {strides = array<i32>} : memref<512xf32, #tpu.memory_space<vmem>>, vector<16xf32>,
        %swap3A_94 = vector.shape_cast %swap3A_93 : vector<16xf32> to vector<16xf32>
        %swap3A_95 = vector.shape_cast %mul3A_92 : vector<16xf32> to vector<16xf32>
        tpu.vector_store %arg9[%swap3A], %swap3A_95 {strides = array<i32>} : memref<512xf32, #tpu.memory_space<vmem>>, vector<16xf32>,
        %add3A_96 = arith.constant 16 : i32
        %add3A_97 = arith.addi %mul3A_77, %add3A_96 : i32
        %add3A_98 = arith.constant 0 : i32
        %add3A_99 = arith.addi %add3A_98, %add3A_97 : i32
        %get3A_100 = arith.index_cast %add3A_99 : i32 to index
        %get3A_101 = tpu.vector_load %arg7[%get3A_100] {strides = array<i32>} : memref<1024xf32, #tpu.memory_space<vmem>>, vector<16xf32>,
        %get3A_102 = vector.shape_cast %get3A_101 : vector<16xf32> to vector<16xf32>
        %add3A_103 = arith.addf %mul3A_65, %get3A_102 : vector<16xf32>
        %add3A_104 = arith.constant 512 : i32
        %add3A_105 = arith.addi %add3A_104, %add3A_97 : i32
        %get3A_106 = arith.index_cast %add3A_105 : i32 to index
        %get3A_107 = tpu.vector_load %arg7[%get3A_106] {strides = array<i32>} : memref<1024xf32, #tpu.memory_space<vmem>>, vector<16xf32>,
        %get3A_108 = vector.shape_cast %get3A_107 : vector<16xf32> to vector<16xf32>
        %add3A_109 = arith.addf %add3A_103, %get3A_108 : vector<16xf32>
        %mul3A_110 = vector.broadcast %scan3A_67 : f32 to vector<16xf32>
        %mul3A_111 = arith.mulf %add3A_109, %mul3A_110 : vector<16xf32>
        %swap3A_112 = arith.index_cast %add3A_97 : i32 to index
        %swap3A_113 = tpu.vector_load %arg9[%swap3A_112] {strides = array<i32>} : memref<512xf32, #tpu.memory_space<vmem>>, vector<16xf32>,
        %swap3A_114 = vector.shape_cast %swap3A_113 : vector<16xf32> to vector<16xf32>
        %swap3A_115 = vector.shape_cast %mul3A_111 : vector<16xf32> to vector<16xf32>
        tpu.vector_store %arg9[%swap3A_112], %swap3A_115 {strides = array<i32>} : memref<512xf32, #tpu.memory_space<vmem>>, vector<16xf32>,
        %add3A_116 = arith.constant 32 : i32
        %add3A_117 = arith.addi %mul3A_77, %add3A_116 : i32
        %add3A_118 = arith.constant 0 : i32
        %add3A_119 = arith.addi %add3A_118, %add3A_117 : i32
        %get3A_120 = arith.index_cast %add3A_119 : i32 to index
        %get3A_121 = tpu.vector_load %arg7[%get3A_120] {strides = array<i32>} : memref<1024xf32, #tpu.memory_space<vmem>>, vector<16xf32>,
        %get3A_122 = vector.shape_cast %get3A_121 : vector<16xf32> to vector<16xf32>
        %add3A_123 = arith.addf %mul3A_65, %get3A_122 : vector<16xf32>
        %add3A_124 = arith.constant 512 : i32
        %add3A_125 = arith.addi %add3A_124, %add3A_117 : i32
        %get3A_126 = arith.index_cast %add3A_125 : i32 to index
        %get3A_127 = tpu.vector_load %arg7[%get3A_126] {strides = array<i32>} : memref<1024xf32, #tpu.memory_space<vmem>>, vector<16xf32>,
        %get3A_128 = vector.shape_cast %get3A_127 : vector<16xf32> to vector<16xf32>
        %add3A_129 = arith.addf %add3A_123, %get3A_128 : vector<16xf32>
        %mul3A_130 = vector.broadcast %scan3A_67 : f32 to vector<16xf32>
        %mul3A_131 = arith.mulf %add3A_129, %mul3A_130 : vector<16xf32>
        %swap3A_132 = arith.index_cast %add3A_117 : i32 to index
        %swap3A_133 = tpu.vector_load %arg9[%swap3A_132] {strides = array<i32>} : memref<512xf32, #tpu.memory_space<vmem>>, vector<16xf32>,
        %swap3A_134 = vector.shape_cast %swap3A_133 : vector<16xf32> to vector<16xf32>
        %swap3A_135 = vector.shape_cast %mul3A_131 : vector<16xf32> to vector<16xf32>
        tpu.vector_store %arg9[%swap3A_132], %swap3A_135 {strides = array<i32>} : memref<512xf32, #tpu.memory_space<vmem>>, vector<16xf32>,
        %add3A_136 = arith.constant 48 : i32
        %add3A_137 = arith.addi %mul3A_77, %add3A_136 : i32
        %add3A_138 = arith.constant 0 : i32
        %add3A_139 = arith.addi %add3A_138, %add3A_137 : i32
        %get3A_140 = arith.index_cast %add3A_139 : i32 to index
        %get3A_141 = tpu.vector_load %arg7[%get3A_140] {strides = array<i32>} : memref<1024xf32, #tpu.memory_space<vmem>>, vector<16xf32>,
        %get3A_142 = vector.shape_cast %get3A_141 : vector<16xf32> to vector<16xf32>
        %add3A_143 = arith.addf %mul3A_65, %get3A_142 : vector<16xf32>
        %add3A_144 = arith.constant 512 : i32
        %add3A_145 = arith.addi %add3A_144, %add3A_137 : i32
        %get3A_146 = arith.index_cast %add3A_145 : i32 to index
        %get3A_147 = tpu.vector_load %arg7[%get3A_146] {strides = array<i32>} : memref<1024xf32, #tpu.memory_space<vmem>>, vector<16xf32>,
        %get3A_148 = vector.shape_cast %get3A_147 : vector<16xf32> to vector<16xf32>
        %add3A_149 = arith.addf %add3A_143, %get3A_148 : vector<16xf32>
        %mul3A_150 = vector.broadcast %scan3A_67 : f32 to vector<16xf32>
        %mul3A_151 = arith.mulf %add3A_149, %mul3A_150 : vector<16xf32>
        %swap3A_152 = arith.index_cast %add3A_137 : i32 to index
        %swap3A_153 = tpu.vector_load %arg9[%swap3A_152] {strides = array<i32>} : memref<512xf32, #tpu.memory_space<vmem>>, vector<16xf32>,
        %swap3A_154 = vector.shape_cast %swap3A_153 : vector<16xf32> to vector<16xf32>
        %swap3A_155 = vector.shape_cast %mul3A_151 : vector<16xf32> to vector<16xf32>
        tpu.vector_store %arg9[%swap3A_152], %swap3A_155 {strides = array<i32>} : memref<512xf32, #tpu.memory_space<vmem>>, vector<16xf32>,
      }
      %scan3A_72 = arith.constant 8 : i32
      %mul3A_73 = arith.constant 512 : i32
      %mul3A_74 = arith.muli %arg1, %mul3A_73 : i32
      "tpu.region"() ({
        %run_scoped3A = tpu.sem_alloc : memref<!tpu.dma_semaphore, #tpu.memory_space<semaphore_mem>>
        %dma_start3A_75 = tpu.memref_slice %arg6[%mul3A_74] : memref<8192xf32, #tpu.memory_space<hbm>> -> memref<512xf32, #tpu.memory_space<hbm>>
        %dma_start3A_76 = tpu.memref_slice %arg6[%mul3A_74] : memref<8192xf32, #tpu.memory_space<hbm>> -> memref<512xf32, #tpu.memory_space<hbm>>
        tpu.enqueue_dma source(%arg9 : memref<512xf32, #tpu.memory_space<vmem>>) target(%dma_start3A_76 : memref<512xf32, #tpu.memory_space<hbm>>) target_semaphore(%run_scoped3A : memref<!tpu.dma_semaphore, #tpu.memory_space<semaphore_mem>>)
        %dma_wait3A_77 = tpu.memref_slice %arg6[%mul3A_74] : memref<8192xf32, #tpu.memory_space<hbm>> -> memref<512xf32, #tpu.memory_space<hbm>>
        %dma_wait3A_78 = tpu.memref_slice %arg6[%mul3A_74] : memref<8192xf32, #tpu.memory_space<hbm>> -> memref<512xf32, #tpu.memory_space<hbm>>
        tpu.wait_dma2 semaphore(%run_scoped3A : memref<!tpu.dma_semaphore, #tpu.memory_space<semaphore_mem>>) src(%arg9 : memref<512xf32, #tpu.memory_space<vmem>>) dst(%dma_wait3A_78 : memref<512xf32, #tpu.memory_space<hbm>>)
        tpu.yield
      }) : () -> ()
    } else {
    }
    return
  }
}

</mosaic_0001>

<sc_bundles>
// kernel: kernel.3.cloned.1.call-start
scs
__scs_entry_jumppad:
0x0: {  	(pc) =	sbr.rel $0x88, $3  }
0x1: {  	(tag) =	ssettag $0x0;
	lr =	simm.s32 $0x1  }
0x2: {  	[smem:$0x3F9D] =	sst lr;
	_ =	strace $0xD0000000  }
0x3: {  	_ = 	snop  }
0x4: {  	_ = 	snop  }
0x5: {  	_ = 	snop  }
0x6: {  	_ = 	snop  }
0x7: {  	_ = 	snop  }
__scs_overlays_trampoline_lowered:
0x8: {  	[smem:$0x3FAC] =	sst s0  }
0x9: {  	[smem:$0x3FAD] =	sst s1  }
0xa: {  	[smem:$0x3FAE] =	sst s2  }
0xb: {  	[smem:$0x3FAF] =	sst s3  }
0xc: {  	[smem:$0x3FB0] =	sst s4  }
0xd: {  	[smem:$0x3FB1] =	sst s5  }
0xe: {  	[smem:$0x3FB2] =	sst s6  }
0xf: {  	[smem:$0x3FB3] =	sst s7  }
0x10: {  	[smem:$0x3FB4] =	sst s8  }
0x11: {  	[smem:$0x3FB5] =	sst s9;
	s0 =	simm.s32 @!p0 $0x0  }
0x12: {  	s1 =	sld [smem:$0x3F9B];
	s0 =	simm.s32 @p0 $0x1  }
0x13: {  	[smem:$0x3FB6] =	sst s0;
	s0 =	simm.s32 @!p1 $0x0  }
0x14: {  	s2 =	sld [smem:$0x3F9A];
	s0 =	simm.s32 @p1 $0x1  }
0x15: {  	[smem:$0x3FB7] =	sst s0;
	s0 =	simm.s32 @!p2 $0x0  }
0x16: {  	s3 =	sld [smem:$0x3FDB];
	s0 =	simm.s32 @p2 $0x1  }
0x17: {  	s4 =	simm.s32 $0x1BF5;
	[smem:$0x3FB9] =	sst s0  }
0x18: {  	s0 =	sld [smem:$0x3F9C];
	_ =	swait.ge [sflag:s4], $0x0  }
0x19: {  	s7 =	sld [smem:$0x3F9D]  }
0x1a: {  	s8 =	sadd.s32 $0xFFFFE003, lr  }
0x1b: {  	s9 =	sadd.s32 $0xFFFFFEF7, lr;
	s5 =	simm.s32 $0xFFFFFFFF;
	p2 =	slt.u32 s8, $0xFFFFF086  }
0x1c: {  	p1 =	slt.u32 s9, $0xF7A;
	s5 =	simm.s32 @!p2 $0x0  }
0x1d: {  	s5 =	simm.s32 @p1 $0x1;
	p0 =	seq.s32 s7, s2  }
0x1e: {  	s7 =	smul.u32 @!p0 $0xF7A, s2;
	p2 =	seq.s32 @!p0 s5, $0x0  }
0x1f: {  	s9 =	smul.u32 $0xF7A, s1;
	s8 =	simm.s32 @!p0 $0x1BF5;
	p2 =	por !p2, p0  }
0x20: {  	[sflag:s8] =	ssyncset.s32 @!p0 $0xFFFFF086;
	s6 =	sadd.s32 @!p0 s3, s7;
	s7 =	simm.s32 @!p0 $0x108  }
0x21: {  	s3 =	sadd.s32 s3, s9;
	s6 =	sadd.s32 @!p0 $0x88, s6;
	s7 =	simm.s32 @p2 $0x1082  }
0x22: {  	[simem:s7], [sflag:s8] =	dma.local @!p0 [hbm:s6], $0xF7A  }
0x23: {  	s9 =	sor.u32 $0xD0000000, s2;
	s6 =	simm.s32 $0x108;
	_ =	swait.ge @!p0 [sflag:s8], $0x0  }
0x24: {  	s3 =	sadd.s32 $0x88, s3;
	s6 =	simm.s32 @!p1 $0x1082;
	[sflag:s4] =	ssyncset.s32 $0xFFFFF086  }
0x25: {  	[simem:s6], [sflag:s4] =	dma.local [hbm:s3], $0xF7A  }
0x26: {  	[smem:$0x3F9D] =	sst s1;
	(tag) =	ssettag s2;
	_ =	strace s9  }
0x27: {  	s1 =	sld [smem:$0x3FAD]  }
0x28: {  	s2 =	sld [smem:$0x3FAE]  }
0x29: {  	s4 =	sld [smem:$0x3FB0]  }
0x2a: {  	p0 =	seq.s32 s5, $0x0;
	s5 =	sld [smem:$0x3FB1]  }
0x2b: {  	s6 =	sld [smem:$0x3FB2]  }
0x2c: {  	s7 =	sld [smem:$0x3FB3]  }
0x2d: {  	s3 =	simm.s32 $0x108;
	s8 =	sld [smem:$0x3FB4]  }
0x2e: {  	s3 =	simm.s32 @!p0 $0x1082;
	s9 =	sld [smem:$0x3FB5]  }
0x2f: {  	lr =	sadd.s32 s0, s3;
	s0 =	sld [smem:$0x3FAC]  }
0x30: {  	s3 =	sld [smem:$0x3FAF]  }
0x31: {  	[smem:$0x3FB8] =	sst s10  }
0x32: {  	s10 =	sld [smem:$0x3FB6];
	_ =	sdelay $0x3  }
0x33: {  	p0 =	seq.s32 s10, $0x1;
	s10 =	sld [smem:$0x3FB8];
	_ =	sdelay $0x3  }
0x34: {  	[smem:$0x3FB8] =	sst s10  }
0x35: {  	s10 =	sld [smem:$0x3FB7];
	_ =	sdelay $0x3  }
0x36: {  	p1 =	seq.s32 s10, $0x1;
	s10 =	sld [smem:$0x3FB8];
	_ =	sdelay $0x3  }
0x37: {  	[smem:$0x3FB8] =	sst s10  }
0x38: {  	s10 =	sld [smem:$0x3FB9]  }
0x39: {  	_ = 	snop;
	(pc) =	sbr.ind lr, $3  }
0x3a: {  	_ = 	snop  }
0x3b: {  	_ = 	snop  }
0x3c: {  	p2 =	seq.s32 s10, $0x1;
	s10 =	sld [smem:$0x3FB8]  }
0x3d: {  	_ =	shalt  }
0x3e: {  	_ =	shalt  }
0x3f: {  	_ =	shalt  }
0x40: {  	_ =	shalt  }
0x41: {  	_ =	shalt  }
0x42: {  	_ =	shalt  }
0x43: {  	_ =	shalt  }
0x44: {  	_ =	shalt  }
0x45: {  	_ =	shalt  }
0x46: {  	_ =	shalt  }
0x47: {  	_ =	shalt  }
0x48: {  	_ =	shalt  }
0x49: {  	_ =	shalt  }
0x4a: {  	_ =	shalt  }
0x4b: {  	_ =	shalt  }
0x4c: {  	_ =	shalt  }
0x4d: {  	_ =	shalt  }
0x4e: {  	_ =	shalt  }
0x4f: {  	_ =	shalt  }
0x50: {  	_ =	shalt  }
0x51: {  	_ =	shalt  }
0x52: {  	_ =	shalt  }
0x53: {  	_ =	shalt  }
0x54: {  	_ =	shalt  }
0x55: {  	_ =	shalt  }
0x56: {  	_ =	shalt  }
0x57: {  	_ =	shalt  }
0x58: {  	_ =	shalt  }
0x59: {  	_ =	shalt  }
0x5a: {  	_ =	shalt  }
0x5b: {  	_ =	shalt  }
0x5c: {  	_ =	shalt  }
0x5d: {  	_ =	shalt  }
0x5e: {  	_ =	shalt  }
0x5f: {  	_ =	shalt  }
0x60: {  	_ =	shalt  }
0x61: {  	_ =	shalt  }
0x62: {  	_ =	shalt  }
0x63: {  	_ =	shalt  }
0x64: {  	_ =	shalt  }
0x65: {  	_ =	shalt  }
0x66: {  	_ =	shalt  }
0x67: {  	_ =	shalt  }
0x68: {  	_ =	shalt  }
0x69: {  	_ =	shalt  }
0x6a: {  	_ =	shalt  }
0x6b: {  	_ =	shalt  }
0x6c: {  	_ =	shalt  }
0x6d: {  	_ =	shalt  }
0x6e: {  	_ =	shalt  }
0x6f: {  	_ =	shalt  }
0x70: {  	_ =	shalt  }
0x71: {  	_ =	shalt  }
0x72: {  	_ =	shalt  }
0x73: {  	_ =	shalt  }
0x74: {  	_ =	shalt  }
0x75: {  	_ =	shalt  }
0x76: {  	_ =	shalt  }
0x77: {  	_ =	shalt  }
0x78: {  	_ =	shalt  }
0x79: {  	_ =	shalt  }
0x7a: {  	_ =	shalt  }
0x7b: {  	_ =	shalt  }
0x7c: {  	_ =	shalt  }
0x7d: {  	_ =	shalt  }
0x7e: {  	_ =	shalt  }
0x7f: {  	_ =	shalt  }
0x80: {  	_ =	shalt  }
0x81: {  	_ =	shalt  }
0x82: {  	_ =	shalt  }
0x83: {  	_ =	shalt  }
0x84: {  	_ =	shalt  }
0x85: {  	_ =	shalt  }
0x86: {  	_ =	shalt  }
0x87: {  	_ =	shalt  }
.Lfunc_end0:
.L_simem_size_0:
called_computation_lowered:
.L_overlay_start_0:
0x88: {  	s0 =	sld [smem:$0x3FD9]  }
0x89: {  	s1 =	sld [smem:$0x3FFE];
	_ =	sdelay $0x3  }
0x8a: {  	s0 =	sadd.s32 s1, s0  }
0x8b: {  	[smem:$0x3FC4] =	sst s0  }
0x8c: {  	_ = 	snop  }
0x8d: {  	s0 =	sld [smem:$0x3FC9]  }
0x8e: {  	s17 =	sld [smem:$0x3FC8]  }
0x8f: {  	s2 =	sld [smem:$0x3FD0];
	(tm) =	ssettm $0x1  }
0x90: {  	s3 =	sld [smem:$0x3FFB];
	_ =	sdelay $0x3  }
0x91: {  	_ =	strace s3  }
0x92: {  	s3 =	sld [smem:$0x3FFC];
	_ =	sdelay $0x3  }
0x93: {  	_ =	strace s3  }
0x94: {  	s3 =	sld [smem:$0x3FFD];
	_ =	sdelay $0x3  }
0x95: {  	_ =	strace s3  }
0x96: {  	_ =	strace $0x8FFFFFFF  }
0x97: {  	s18 =	sld [smem:$0x3FDB];
	_ =	sdelay $0x1  }
0x98: {  	s4 =	simm.s32 $_scs_section_size  }
0x99: {  	s5 =	simm.s32 $_size__tile_overlayer_lowered;
	s6 =	simm.s32 $_tile_overlayer_lowered  }
0x9a: {  	s21 =	simm.s32 $0x1BFF;
	s20 =	sshll.u32 s6, $0x1;
	s3 =	sadd.s32 s4, s18  }
0x9b: {  	s7 =	simm.s32 $0x0;
	s19 =	sshll.u32 s5, $0x1;
	s5 =	sadd.s32 s20, s3  }
0x9c: {  	[timem:s7], [sflag:s21] =	dma.local [hbm:s5], s19  }
0x9d: {  	_ =	swait.ge [sflag:s21], s19  }
0x9e: {  	s4 =	ssub.s32 $0x0, s19;
	[sflag:s21] =	ssyncset.done $0x0  }
0x9f: {  	[sflag:s21] =	ssyncadd.s32 s4;
	_ =	sdelay $0x1  }
0xa0: {  	s22 =	simm.s32 $0x1B8B  }
0xa1: {  	_ =	swait.ge [sflag:s22], $0x1  }
0xa2: {  	[sflag:s22] =	ssyncset.done $0x0  }
0xa3: {  	s23 =	simm.s32 $0x1B8E;
	[sflag:s22] =	ssyncadd.s32 $0xFFFFFFFF  }
0xa4: {  	s24 =	simm.s32 $execute0_lowered;
	[smem:$0x3FD2] =	sst s23  }
0xa5: {  	s4 =	sshll.u32 s24, $0x1;
	_ =	strace $0x80000046;
	[dreg:$0x1] =	wrdreg $0xFFFFFFFF  }
0xa6: {  	s25 =	simm.s32 $_size_execute0_lowered;
	s3 =	sadd.s32 s3, s4;
	[dreg:$0x0] =	wrdreg $0x0  }
0xa7: {  	s4 =	sshll.u32 s25, $0x1;
	[dreg:$0x2] =	wrdreg s3  }
0xa8: {  	[dreg:$0x3] =	wrdreg s4  }
0xa9: {  	[dreg:$0x4] =	wrdreg $0xC0  }
0xaa: {  	_ =	task [dreg:s7], $0x5FFFF  }
0xab: {  	[dreg:$0x1] =	wrdreg $0xFFFFFFFF  }
0xac: {  	[dreg:$0x0] =	wrdreg $0x60  }
0xad: {  	[dreg:$0x2] =	wrdreg s0  }
0xae: {  	[dreg:$0x3] =	wrdreg s17  }
0xaf: {  	[dreg:$0x4] =	wrdreg s2  }
0xb0: {  	[dreg:$0x5] =	wrdreg $0x9  }
0xb1: {  	_ =	task.clear_ibuf [dreg:s7], $0x6FFFF;
	_ =	strace $0x90000046  }
0xb2: {  	s26 =	simm.s32 $0x9;
	_ =	strace $0x80000048  }
0xb3: {  	_ =	swait.ge [sflag:s26], $0x1  }
0xb4: {  	[sflag:s26] =	ssyncadd.s32 $0xFFFFFFFF  }
0xb5: {  	_ =	strace $0x90000048  }
0xb6: {  	_ =	sfence  }
0xb7: {  	s28 =	sld [smem:$0x0];
	_ =	sdelay $0x1  }
0xb8: {  	s29 =	srdreg.scid  }
0xb9: {  	s30 =	sshll.u32 s29, $0xD;
	s31 =	sshrl.u32 s29, $0x2  }
0xba: {  	s1 =	sand.u32 $0x1, s29;
	s2 =	sand.u32 $0x4000, s30;
	s0 =	sadd.s32 s31, s28  }
0xbb: {  	s1 =	sor.u32 s2, s1;
	s0 =	sshll.u32 s0, $0x11  }
0xbc: {  	s0 =	sor.u32 s0, s1  }
0xbd: {  	s0 =	sadd.s32 $0x8F2B, s0  }
0xbe: {  	[sflag:s0] =	ssyncadd.remote.s32 $0x1  }
0xbf: {  	_ =	sfence.sel $0xFFFF  }
0xc0: {  	[dreg:$0x0] =	wrdreg $0xFFFFFFFF;
	(pc) =	sbr.abs _section_cstart, $3  }
0xc1: {  	[dreg:$0x1] =	wrdreg $0xFFFFFFFF  }
0xc2: {  	_ =	task.clear_ibuf [dreg:s7], $0x2FFFF;
	_ =	strace $0x9FFFFFFF  }
0xc3: {  	(tm) =	ssettm $0x7FFFFFFF  }
tec
execute0_lowered:
.L_overlay_start_1:
0x0: {  	(tag) =	ssettag $0x1  }
0x1: {  	s3 =	rddreg [dreg:$0x0]  }
0x2: {  	s4 =	rddreg [dreg:$0x1]  }
0x3: {  	s2 =	rddreg [dreg:$0x2];
	s5 =	simm.s32 $0x0;
	s1 =	stileid.u32  }
0x4: {  	[smem:$0x7FF] =	sst s5;
	s6 =	sshll.u32 s1, $0x7  }
0x5: {  	s0 =	rddreg [dreg:$0x3];
	_ =	strace $0x80000047;
	s3 =	sadd.s32 s3, s6  }
0x6: {  	[tilespmem:s5], [sflag:$0x1] =	stream.linear.gather [hbm4b:s3+s5], $0x400, $0x38;
	[tilespmem:$0xA00] =	vst v63  }
0x7: {  	s28 =	simm.s32 $0x400;
	s29 =	simm.s32 $0x1;
	s26 =	sadd.s32 s4, s6  }
0x8: {  	[tilespmem:s28], [sflag:$0x2] =	stream.linear.gather [hbm4b:s26+s5], $0x400, $0x38;
	[tilespmem:$0xA00] =	vst v63  }
0x9: {  	_ =	swait.ge [sflag:s29], $0x400  }
0xa: {  	[sflag:s29] =	ssyncset.done $0x0  }
0xb: {  	s30 =	simm.s32 $0x2;
	[sflag:s29] =	ssyncadd.s32 $0xFFFFFC00  }
0xc: {  	_ =	swait.ge [sflag:s30], $0x400  }
0xd: {  	[sflag:s30] =	ssyncset.done $0x0  }
0xe: {  	s31 =	simm.s32 $0x0;
	[sflag:s30] =	ssyncadd.s32 $0xFFFFFC00  }
0xf: {  	v5 =	vld [tilespmem:s31+$0x420]  }
0x10: {  	v6 =	vld [tilespmem:s31+$0x20]  }
0x11: {  	v7 =	vld [tilespmem:s31+$0x430]  }
0x12: {  	v4 =	vld [tilespmem:s31+$0x400]  }
0x13: {  	v8 =	vld [tilespmem:s31+$0x0]  }
0x14: {  	v9 =	vld [tilespmem:s31+$0x410]  }
0x15: {  	v10 =	vld [tilespmem:s31+$0x10]  }
0x16: {  	s3 =	simm.s32 $0x40;
	v11 =	vld [tilespmem:s31+$0x30]  }
0x17: {  	v1 =	vld [tilespmem:s3+$0x420]  }
0x18: {  	v3 =	vld [tilespmem:s3+$0x20]  }
0x19: {  	v2 =	vld [tilespmem:s3+$0x430]  }
0x1a: {  	v0 =	vld [tilespmem:s3+$0x400];
	v8 =	vsub.f32 v4, v8;
	v9 =	vsub.f32 v9, v10  }
0x1b: {  	v10 =	vimm.f32 $0.0e+00;
	v4 =	vld [tilespmem:s3+$0x0];
	v6 =	vsub.f32 v5, v6;
	v7 =	vsub.f32 v7, v11  }
0x1c: {  	s4 =	simm.s32 $0x200;
	v5 =	vld [tilespmem:s3+$0x410];
	v8 =	vadd.f32 v8, v10;
	v9 =	vadd.f32 v9, v10  }
.LBB2_1:
0x1d: {  	p0 =	sne.s32 s4, $0xF00;
	v10 =	vld [tilespmem:s3+$0x10];
	v11 =	vmov v3  }
0x1e: {  	v12 =	vld [tilespmem:s3+$0x30];
	s3 =	sshra.s32 s4, $0x2;
	v8 =	vadd.f32 v6, v8;
	v9 =	vadd.f32 v7, v9;
	v7 =	vmov v2  }
0x1f: {  	v13 =	vld [tilespmem:s3+$0x420]  }
.Ltmp0:
0x20: {  	v3 =	vld [tilespmem:s3+$0x20];
	(pc) =	sbr.rel @p0 .LBB2_1-.Ltmp0, $4  }
0x21: {  	v2 =	vld [tilespmem:s3+$0x430]  }
0x22: {  	v14 =	vsub.f32 v0, v4;
	v0 =	vld [tilespmem:s3+$0x400];
	v10 =	vsub.f32 v5, v10  }
0x23: {  	v6 =	vsub.f32 v1, v11;
	v4 =	vld [tilespmem:s3+$0x0];
	v7 =	vsub.f32 v7, v12  }
0x24: {  	s4 =	sadd.s32 $0x100, s4;
	v8 =	vadd.f32 v14, v8;
	v5 =	vld [tilespmem:s3+$0x410];
	v9 =	vadd.f32 v10, v9;
	v1 =	vmov v13  }
0x25: {  	v10 =	vld [tilespmem:s3+$0x10]  }
0x26: {  	v11 =	vld [tilespmem:s3+$0x30];
	_ =	sdelay $0x2  }
0x27: {  	v6 =	vadd.f32 v6, v8;
	v7 =	vadd.f32 v7, v9  }
0x28: {  	v0 =	vsub.f32 v0, v4;
	v50 =	vsub.f32 v5, v10  }
0x29: {  	v1 =	vsub.f32 v1, v3;
	v2 =	vsub.f32 v2, v11  }
0x2a: {  	v0 =	vadd.f32 v0, v6;
	v51 =	vadd.f32 v50, v7;
	_ =	sdelay $0x1  }
0x2b: {  	v0 =	vadd.f32 v1, v0;
	v52 =	vadd.f32 v2, v51;
	_ =	sdelay $0x1  }
0x2c: {  	v0 =	vadd.f32 v52, v0;
	_ =	sdelay $0x1  }
0x2d: {  	(v2sf) =	vpush v0, $0x0  }
0x2e: {  	(v2sf) =	vpush v0, $0x1;
	_ =	sdelay $0x1  }
0x2f: {  	(v2sf) =	vpush v0, $0x2;
	_ =	sdelay $0x1  }
0x30: {  	(v2sf) =	vpush v0, $0x3;
	_ =	sdelay $0x1  }
0x31: {  	(v2sf) =	vpush v0, $0x4;
	_ =	sdelay $0x1  }
0x32: {  	(v2sf) =	vpush v0, $0x5;
	_ =	sdelay $0x1  }
0x33: {  	(v2sf) =	vpush v0, $0x6;
	_ =	sdelay $0x1  }
0x34: {  	(v2sf) =	vpush v0, $0x7;
	_ =	sdelay $0x1  }
0x35: {  	s12 =	spop (v2sf);
	(v2sf) =	vpush v0, $0x8  }
0x36: {  	s4 =	spop (v2sf)  }
0x37: {  	v53 =	vld [tilespmem:$0x0];
	(v2sf) =	vpush v0, $0x9;
	s3 =	sadd.f32 s4, s12  }
0x38: {  	v54 =	vld [tilespmem:$0x200];
	s13 =	spop (v2sf)  }
0x39: {  	v55 =	vld [tilespmem:$0x10];
	(v2sf) =	vpush v0, $0xA;
	s3 =	sadd.f32 s3, s13  }
0x3a: {  	v56 =	vld [tilespmem:$0x210];
	s14 =	spop (v2sf)  }
0x3b: {  	v57 =	vld [tilespmem:$0x20];
	(v2sf) =	vpush v0, $0xB;
	s3 =	sadd.f32 s3, s14  }
0x3c: {  	v58 =	vld [tilespmem:$0x220];
	s15 =	spop (v2sf)  }
0x3d: {  	v59 =	vld [tilespmem:$0x30];
	(v2sf) =	vpush v0, $0xC;
	s3 =	sadd.f32 s3, s15  }
0x3e: {  	v60 =	vld [tilespmem:$0x230];
	s16 =	spop (v2sf)  }
0x3f: {  	v61 =	vld [tilespmem:$0x40];
	(v2sf) =	vpush v0, $0xD;
	s3 =	sadd.f32 s3, s16  }
0x40: {  	v62 =	vld [tilespmem:$0x240];
	s17 =	spop (v2sf)  }
0x41: {  	v63 =	vld [tilespmem:$0x50];
	(v2sf) =	vpush v0, $0xE;
	s3 =	sadd.f32 s3, s17  }
0x42: {  	v12 =	vld [tilespmem:$0x250];
	s18 =	spop (v2sf)  }
0x43: {  	v13 =	vld [tilespmem:$0x60];
	(v2sf) =	vpush v0, $0xF;
	s3 =	sadd.f32 s3, s18  }
0x44: {  	v14 =	vld [tilespmem:$0x260];
	s19 =	spop (v2sf)  }
0x45: {  	v15 =	vld [tilespmem:$0x70];
	s3 =	sadd.f32 s3, s19  }
0x46: {  	v16 =	vld [tilespmem:$0x270];
	s20 =	spop (v2sf)  }
0x47: {  	v17 =	vld [tilespmem:$0x80];
	s3 =	sadd.f32 s3, s20  }
0x48: {  	v18 =	vld [tilespmem:$0x280];
	s21 =	spop (v2sf)  }
0x49: {  	v19 =	vld [tilespmem:$0x90];
	s3 =	sadd.f32 s3, s21  }
0x4a: {  	v20 =	vld [tilespmem:$0x290];
	s22 =	spop (v2sf)  }
0x4b: {  	v21 =	vld [tilespmem:$0xA0];
	s3 =	sadd.f32 s3, s22  }
0x4c: {  	v22 =	vld [tilespmem:$0x2A0];
	s23 =	spop (v2sf)  }
0x4d: {  	v23 =	vld [tilespmem:$0xB0];
	s3 =	sadd.f32 s3, s23  }
0x4e: {  	v24 =	vld [tilespmem:$0x2B0];
	s24 =	spop (v2sf)  }
0x4f: {  	v25 =	vld [tilespmem:$0xC0];
	s3 =	sadd.f32 s3, s24  }
0x50: {  	v26 =	vld [tilespmem:$0x2C0];
	s25 =	spop (v2sf)  }
0x51: {  	v27 =	vld [tilespmem:$0xD0];
	s3 =	sadd.f32 s3, s25  }
0x52: {  	v28 =	vld [tilespmem:$0x2D0];
	s26 =	spop (v2sf)  }
0x53: {  	v29 =	vld [tilespmem:$0xE0];
	s3 =	sadd.f32 s3, s26  }
0x54: {  	v30 =	vld [tilespmem:$0x2E0]  }
0x55: {  	v31 =	vld [tilespmem:$0xF0];
	v40 =	vmov s3  }
0x56: {  	v32 =	vld [tilespmem:$0x2F0];
	v0 =	vmul.f32 $1.953125000e-03, v40  }
0x57: {  	v33 =	vld [tilespmem:$0x100]  }
0x58: {  	v34 =	vld [tilespmem:$0x300];
	v0 =	vbroadcast v0, $0x0  }
0x59: {  	v35 =	vld [tilespmem:$0x110]  }
0x5a: {  	v36 =	vld [tilespmem:$0x310];
	v1 =	vadd.f32 v53, v0  }
0x5b: {  	v37 =	vld [tilespmem:$0x120];
	v3 =	vadd.f32 v55, v0;
	v41 =	vadd.f32 v57, v0  }
0x5c: {  	v9 =	vld [tilespmem:$0x330];
	v42 =	vadd.f32 v59, v0;
	v1 =	vadd.f32 v54, v1  }
0x5d: {  	v5 =	vld [tilespmem:$0x320];
	v43 =	vadd.f32 v61, v0;
	v3 =	vadd.f32 v56, v3  }
0x5e: {  	v11 =	vld [tilespmem:$0x140];
	v44 =	vadd.f32 v63, v0;
	v2 =	vadd.f32 v58, v41;
	v1 =	vmul.f32 $5.000000000e-01, v1  }
0x5f: {  	v10 =	vld [tilespmem:$0x340];
	v47 =	vadd.f32 v13, v0;
	v4 =	vadd.f32 v60, v42;
	v3 =	vmul.f32 $5.000000000e-01, v3  }
0x60: {  	v7 =	vld [tilespmem:$0x130];
	v50 =	vadd.f32 v15, v0;
	v46 =	vadd.f32 v62, v43;
	v45 =	vmul.f32 $5.000000000e-01, v2;
	[tilespmem:$0x800] =	vst v1  }
0x61: {  	v53 =	vadd.f32 v17, v0;
	v13 =	vld [tilespmem:$0x350];
	v49 =	vadd.f32 v12, v44;
	v48 =	vmul.f32 $5.000000000e-01, v4;
	[tilespmem:$0x810] =	vst v3  }
0x62: {  	v59 =	vadd.f32 v21, v0;
	v15 =	vld [tilespmem:$0x360];
	v52 =	vadd.f32 v14, v47;
	v51 =	vmul.f32 $5.000000000e-01, v46;
	[tilespmem:$0x820] =	vst v45  }
0x63: {  	v17 =	vld [tilespmem:$0x370];
	v39 =	vadd.f32 v29, v0;
	v55 =	vadd.f32 v16, v50;
	v54 =	vmul.f32 $5.000000000e-01, v49;
	[tilespmem:$0x830] =	vst v48  }
0x64: {  	v29 =	vld [tilespmem:$0x3C0];
	v56 =	vadd.f32 v19, v0;
	v58 =	vadd.f32 v18, v53;
	v57 =	vmul.f32 $5.000000000e-01, v52;
	[tilespmem:$0x840] =	vst v51  }
0x65: {  	v12 =	vld [tilespmem:$0x150];
	v62 =	vadd.f32 v23, v0;
	v21 =	vadd.f32 v22, v59;
	v60 =	vmul.f32 $5.000000000e-01, v55;
	[tilespmem:$0x850] =	vst v54  }
0x66: {  	v14 =	vld [tilespmem:$0x160];
	v22 =	vadd.f32 v25, v0;
	v61 =	vadd.f32 v20, v56;
	v63 =	vmul.f32 $5.000000000e-01, v58;
	[tilespmem:$0x860] =	vst v57  }
0x67: {  	v16 =	vld [tilespmem:$0x170];
	v25 =	vadd.f32 v27, v0;
	v24 =	vadd.f32 v24, v62;
	v27 =	vmul.f32 $5.000000000e-01, v21;
	[tilespmem:$0x870] =	vst v60  }
0x68: {  	v18 =	vld [tilespmem:$0x180];
	v53 =	vadd.f32 v37, v0;
	v38 =	vadd.f32 v26, v22;
	v23 =	vmul.f32 $5.000000000e-01, v61;
	[tilespmem:$0x880] =	vst v63  }
0x69: {  	v19 =	vld [tilespmem:$0x380];
	v41 =	vadd.f32 v28, v25;
	v40 =	vmul.f32 $5.000000000e-01, v24;
	[tilespmem:$0x8A0] =	vst v27  }
0x6a: {  	v42 =	vadd.f32 v31, v0;
	v43 =	vld [tilespmem:$0x190];
	v59 =	vadd.f32 v5, v53;
	v44 =	vmul.f32 $5.000000000e-01, v38;
	[tilespmem:$0x890] =	vst v23  }
0x6b: {  	v50 =	vld [tilespmem:$0x1A0];
	v46 =	vadd.f32 v33, v0;
	v45 =	vadd.f32 v30, v39;
	v47 =	vmul.f32 $5.000000000e-01, v41;
	[tilespmem:$0x8B0] =	vst v40  }
0x6c: {  	v37 =	vld [tilespmem:$0x3D0];
	v49 =	vadd.f32 v35, v0;
	v48 =	vadd.f32 v32, v42;
	v26 =	vmul.f32 $5.000000000e-01, v59;
	[tilespmem:$0x8C0] =	vst v44  }
0x6d: {  	v7 =	vadd.f32 v7, v0;
	v21 =	vld [tilespmem:$0x390];
	v52 =	vadd.f32 v34, v46;
	v51 =	vmul.f32 $5.000000000e-01, v45;
	[tilespmem:$0x8D0] =	vst v47  }
0x6e: {  	v25 =	vld [tilespmem:$0x1C0];
	v56 =	vadd.f32 v36, v49;
	v60 =	vadd.f32 v11, v0;
	v55 =	vmul.f32 $5.000000000e-01, v48;
	[tilespmem:$0x920] =	vst v26  }
0x6f: {  	v33 =	vld [tilespmem:$0x1D0];
	v63 =	vadd.f32 v9, v7;
	v24 =	vadd.f32 v12, v0;
	v58 =	vmul.f32 $5.000000000e-01, v52;
	[tilespmem:$0x8E0] =	vst v51  }
0x70: {  	v54 =	vld [tilespmem:$0x3A0];
	v28 =	vadd.f32 v14, v0;
	v62 =	vmul.f32 $5.000000000e-01, v56;
	v27 =	vadd.f32 v10, v60;
	[tilespmem:$0x8F0] =	vst v55  }
0x71: {  	v57 =	vld [tilespmem:$0x1B0];
	v32 =	vadd.f32 v16, v0;
	v30 =	vmul.f32 $5.000000000e-01, v63;
	v31 =	vadd.f32 v13, v24;
	[tilespmem:$0x900] =	vst v58  }
0x72: {  	v61 =	vld [tilespmem:$0x3B0];
	v36 =	vadd.f32 v18, v0;
	v35 =	vadd.f32 v15, v28;
	[tilespmem:$0x910] =	vst v62;
	v34 =	vmul.f32 $5.000000000e-01, v27  }
0x73: {  	v41 =	vld [tilespmem:$0x1E0];
	v40 =	vadd.f32 v43, v0;
	v39 =	vadd.f32 v17, v32;
	[tilespmem:$0x930] =	vst v30;
	v38 =	vmul.f32 $5.000000000e-01, v31  }
0x74: {  	v44 =	vadd.f32 v50, v0;
	v45 =	vld [tilespmem:$0x1F0];
	v43 =	vadd.f32 v19, v36;
	v42 =	vmul.f32 $5.000000000e-01, v35;
	[tilespmem:$0x940] =	vst v34  }
0x75: {  	v49 =	vld [tilespmem:$0x3E0];
	v52 =	vadd.f32 v25, v0;
	v47 =	vadd.f32 v21, v40;
	v46 =	vmul.f32 $5.000000000e-01, v39;
	[tilespmem:$0x950] =	vst v38  }
0x76: {  	v53 =	vld [tilespmem:$0x3F0];
	v55 =	vadd.f32 v33, v0;
	v50 =	vmul.f32 $5.000000000e-01, v43;
	v51 =	vadd.f32 v54, v44;
	[tilespmem:$0x960] =	vst v42  }
0x77: {  	v48 =	vadd.f32 v57, v0;
	v57 =	vadd.f32 v29, v52;
	v4 =	vmul.f32 $5.000000000e-01, v47;
	[tilespmem:$0x970] =	vst v46  }
0x78: {  	v58 =	vadd.f32 v41, v0;
	v59 =	vadd.f32 v37, v55;
	[tilespmem:$0x980] =	vst v50;
	v56 =	vmul.f32 $5.000000000e-01, v51  }
0x79: {  	v54 =	vadd.f32 v61, v48;
	v0 =	vadd.f32 v45, v0;
	v60 =	vmul.f32 $5.000000000e-01, v57;
	[tilespmem:$0x990] =	vst v4  }
0x7a: {  	v61 =	vadd.f32 v49, v58;
	v62 =	vmul.f32 $5.000000000e-01, v59;
	[tilespmem:$0x9A0] =	vst v56  }
0x7b: {  	v3 =	vmul.f32 $5.000000000e-01, v54;
	v0 =	vadd.f32 v53, v0;
	[tilespmem:$0x9C0] =	vst v60  }
0x7c: {  	v63 =	vmul.f32 $5.000000000e-01, v61;
	[tilespmem:$0x9D0] =	vst v62  }
0x7d: {  	[tilespmem:$0x9B0] =	vst v3;
	v0 =	vmul.f32 $5.000000000e-01, v0  }
0x7e: {  	s28 =	sshll.u32 s1, $0x6;
	s29 =	simm.s32 $0x0;
	[tilespmem:$0x9E0] =	vst v63  }
0x7f: {  	s30 =	simm.s32 $0x800;
	s31 =	simm.s32 $0x3;
	s2 =	sadd.s32 s2, s28;
	[tilespmem:$0x9F0] =	vst v0  }
0x80: {  	[hbm4b:s2+s29] =	stream.linear.scatter [tilespmem:s30], [sflag:$0x3], $0x200, $0x38;
	[tilespmem:$0xA00] =	vst v63  }
0x81: {  	_ =	swait.ge [sflag:s31], $0x200  }
0x82: {  	[sflag:s31] =	ssyncset.done $0x0  }
0x83: {  	[sflag:s31] =	ssyncadd.s32 $0xFFFFFE00  }
0x84: {  	_ =	sfence.sel $0x180000  }
0x85: {  	[bflag:$0x0] =	sbarrier.arrive $0xFFFF  }
0x86: {  	p0 =	sne.s32 s1, $0x0;
	_ =	strace $0x90000047  }
0x87: {  	s0 =	sadd.s32 @!p0 $0x100000, s0;
	[bflag:$0x2] =	sbarrier.arrive $0xFFFF  }
0x88: {  	[sflag:s0] =	ssyncadd.tile.s32 @!p0 $0x1;
	_ =	shalt  }
.Lfunc_end2:
_tile_overlayer_lowered:
.L_overlay_start_2:
0x89: {  	(tag) =	ssettag $0x2  }
0x8a: {  	s0 =	rddreg [dreg:$0x0];
	s2 =	stileid.u32  }
0x8b: {  	s1 =	rddreg [dreg:$0x1];
	p0 =	sne.s32 s2, $0x0  }
0x8c: {  	s3 =	rddreg [dreg:$0x2];
	[bflag:$0x3] =	sbarrier.arrive $0xFFFF;
	s2 =	simm.s32 @!p0 $0x1C03  }
0x8d: {  	[timem:s3], [sflag:s2] =	dma.local @!p0 [hbm:s0], s1  }
0x8e: {  	s0 =	simm.s32 @!p0 $0x3  }
0x8f: {  	_ =	swait.ge @!p0 [sflag:s0], s1  }
0x90: {  	s1 =	ssub.s32 @!p0 $0x0, s1;
	[sflag:s0] =	ssyncset.done @!p0 $0x0  }
0x91: {  	[sflag:s0] =	ssyncadd.s32 @!p0 s1  }
0x92: {  	[bflag:$0x3] =	sbarrier.arrive $0xFFFF  }
0x93: {  	_ =	shalt  }

</sc_bundles>
